<compile_context>
chip_gen: v7x
topology: tpu7x:2x2x1
jax: 0.10.2.dev20260603
libtpu: 0.0.44.dev20260713+nightly
codegen_flags: <defaults>
</compile_context>

<pallas_src>
import functools

import jax
import jax.numpy as jnp
from jax import lax
from jax.experimental import pallas as pl
from jax.experimental.pallas import tpu as pltpu
from jax.experimental.pallas import tpu_sc as plsc

_LOD = 128
_FEAT = 18

_NC = 2
_NS = 16
_NW = _NC * _NS



def _idx_body(p_ref, ptsT_ref, idx_ref):
    x = ptsT_ref[0:1, :]
    y = ptsT_ref[1:2, :]
    z = ptsT_ref[2:3, :]
    xt = p_ref[0] * x + p_ref[1] * y + p_ref[2] * z - p_ref[9]
    yt = p_ref[3] * x + p_ref[4] * y + p_ref[5] * z - p_ref[10]
    zt = p_ref[6] * x + p_ref[7] * y + p_ref[8] * z - p_ref[11]
    r = float(_LOD - 1)
    fx = jnp.floor(xt * r)
    fy = jnp.floor(yt * r)
    fz = jnp.floor(zt * r)
    idx_ref[...] = (fx + fy * float(_LOD) + fz * float(_LOD * _LOD)).astype(
        jnp.int32)


def _compute_idx(params, ptsT):
    n = ptsT.shape[1]
    bn = min(n, 131072)
    grid = n // bn
    return pl.pallas_call(
        _idx_body,
        grid=(grid,),
        in_specs=[
            pl.BlockSpec(memory_space=pltpu.SMEM),
            pl.BlockSpec((3, bn), lambda i: (0, i)),
        ],
        out_specs=pl.BlockSpec((1, bn), lambda i: (0, i)),
        out_shape=jax.ShapeDtypeStruct((1, n), jnp.int32),
    )(params, ptsT)



def _make_sc_gather(n, v, d, ch):
    bpw = n // _NW
    nchunk = bpw // ch
    mesh = plsc.VectorSubcoreMesh(
        core_axis_name="c", subcore_axis_name="s",
        num_cores=_NC, num_subcores=_NS)

    @functools.partial(
        pl.kernel,
        mesh=mesh,
        compiler_params=pltpu.CompilerParams(use_tc_tiling_on_sc=False),
        out_type=jax.ShapeDtypeStruct((n, d), jnp.float32),
        scratch_types=[
            pltpu.VMEM((ch,), jnp.int32),
            pltpu.VMEM((ch, d), jnp.float32),
            pltpu.SemaphoreType.DMA,
        ],
    )
    def sc_gather(idx_hbm, cb_hbm, out_hbm, idx_v, rows_v, sem):
        wid = lax.axis_index("s") * _NC + lax.axis_index("c")
        base = wid * bpw

        def chunk(i, carry):
            off = base + i * ch
            pltpu.sync_copy(idx_hbm.at[pl.ds(off, ch)], idx_v)
            pltpu.async_copy(cb_hbm.at[idx_v], rows_v, sem).wait()
            pltpu.sync_copy(rows_v, out_hbm.at[pl.ds(off, ch)])
            return carry

        lax.fori_loop(0, nchunk, chunk, 0)

    return sc_gather



def kernel(pts, transform, codebook_0):
    if pts.ndim > 2:
        pts = pts.reshape(-1, pts.shape[-1])
    n = pts.shape[0]
    a_inv = jnp.linalg.inv(transform[:3, :3])
    c = a_inv @ transform[:3, 3]
    params = jnp.concatenate([a_inv.reshape(-1), c]).astype(jnp.float32)
    idx = _compute_idx(params, pts.T).reshape(-1)
    gather = _make_sc_gather(n, codebook_0.shape[0], codebook_0.shape[1],
                             2048)
    return gather(idx, codebook_0)

# --- scband reference (transcript-rebuilt; emitter-appended) ---
"""Pipeline reference for scband-dense-grid-85186381348922 (READ-ONLY COPY).

The authoritative reference and input builder live on the scoring server;
editing this copy changes nothing except your own understanding.
"""

import jax, jax.numpy as jnp
import numpy as np

LOD = 128
FEAT_DIM = 18
N_PTS = 1048576


def setup_inputs(seed: int = 0) -> dict:
    key = jax.random.key(seed)
    k1, k2 = jax.random.split(key)
    pts = jax.random.uniform(k1, (N_PTS, 3), dtype=jnp.float32)
    codebook_0 = jax.random.normal(k2, (LOD ** 3, FEAT_DIM), dtype=jnp.float32) * 0.01
    transform = jnp.eye(4, dtype=jnp.float32)
    return {"pts": pts, "transform": transform, "codebook_0": codebook_0}


def reference(pts, transform, codebook_0):
    # DenseGrid.forward with interpolation_type='closest', single LOD
    if pts.ndim > 2:
        pts = pts.reshape(-1, pts.shape[-1])
    A = jnp.linalg.inv(transform[:3, :3])
    pts_t = (A @ (pts.T - transform[:3, 3:4])).T
    res = LOD
    x = jnp.floor(pts_t[:, 0] * (res - 1))
    y = jnp.floor(pts_t[:, 1] * (res - 1))
    z = jnp.floor(pts_t[:, 2] * (res - 1))
    idx = (x + y * res + z * res * res).astype(jnp.int32)
    features = jnp.take(codebook_0, idx, axis=0)
    feats = [features[..., None]]
    all_features = jnp.concatenate(feats, -1)
    all_features = all_features.sum(-1)
    return all_features

if __name__ == "__main__":
    import jax
    _d = setup_inputs()
    print(jax.jit(kernel)(*tuple(_d.values())))

</pallas_src>

<mosaic_0001>
#map = affine_map<(d0, d1) -> (0)>
#map1 = affine_map<(d0, d1) -> (0, 0)>
module attributes {stable_mosaic.version = 14 : i64} {
  func.func @sc_gather(%arg0: i32, %arg1: i32, %arg2: memref<1048576xi32, #tpu.memory_space<hbm>>, %arg3: memref<2097152x18xf32, #tpu.memory_space<hbm>>, %arg4: memref<1048576x18xf32, #tpu.memory_space<hbm>>, %arg5: memref<2048xi32, #tpu.memory_space<vmem>>, %arg6: memref<2048x18xf32, #tpu.memory_space<vmem>>, %arg7: memref<!tpu.dma_semaphore, #tpu.memory_space<semaphore_mem>>) attributes {dimension_semantics = [#tpu.dimension_semantics<core_parallel>, #tpu.dimension_semantics<subcore_parallel>], iteration_bounds = array<i64: 2, 16>, scalar_prefetch = 0 : i64, scratch_operands = 3 : i64, tpu.core_type = #tpu.core_type<sc_vector_subcore>, window_params = [{transform_indices = #map}, {transform_indices = #map1}, {transform_indices = #map1}]} {
    %mul3A = arith.constant 2 : i32
    %mul3A_0 = arith.muli %arg1, %mul3A : i32
    %add3A = arith.addi %mul3A_0, %arg0 : i32
    %mul3A_1 = arith.constant 32768 : i32
    %mul3A_2 = arith.muli %add3A, %mul3A_1 : i32
    %scan3A = arith.constant 0 : i32
    %scan3A_3 = arith.constant 0 : i32
    %scan3A_4 = arith.constant 16 : i32
    %scan3A_5 = arith.addi %scan3A_3, %scan3A_4 : i32
    %scan3A_6 = arith.constant 1 : i32
    scf.for %scan3A_8 = %scan3A_3 to %scan3A_5 step %scan3A_6  : i32 {
      %mul3A_9 = arith.constant 2048 : i32
      %mul3A_10 = arith.muli %scan3A_8, %mul3A_9 : i32
      %add3A_11 = arith.addi %mul3A_2, %mul3A_10 : i32
      "tpu.region"() ({
        %run_scoped3A = tpu.sem_alloc : memref<!tpu.dma_semaphore, #tpu.memory_space<semaphore_mem>>
        %dma_start3A_16 = tpu.memref_slice %arg2[%add3A_11] : memref<1048576xi32, #tpu.memory_space<hbm>> -> memref<2048xi32, #tpu.memory_space<hbm>>
        %dma_start3A_17 = tpu.memref_slice %arg2[%add3A_11] : memref<1048576xi32, #tpu.memory_space<hbm>> -> memref<2048xi32, #tpu.memory_space<hbm>>
        tpu.enqueue_dma source(%dma_start3A_17 : memref<2048xi32, #tpu.memory_space<hbm>>) target(%arg5 : memref<2048xi32, #tpu.memory_space<vmem>>) target_semaphore(%run_scoped3A : memref<!tpu.dma_semaphore, #tpu.memory_space<semaphore_mem>>)
        %dma_wait3A_18 = tpu.memref_slice %arg2[%add3A_11] : memref<1048576xi32, #tpu.memory_space<hbm>> -> memref<2048xi32, #tpu.memory_space<hbm>>
        %dma_wait3A_19 = tpu.memref_slice %arg2[%add3A_11] : memref<1048576xi32, #tpu.memory_space<hbm>> -> memref<2048xi32, #tpu.memory_space<hbm>>
        tpu.wait_dma2 semaphore(%run_scoped3A : memref<!tpu.dma_semaphore, #tpu.memory_space<semaphore_mem>>) src(%dma_wait3A_19 : memref<2048xi32, #tpu.memory_space<hbm>>) dst(%arg5 : memref<2048xi32, #tpu.memory_space<vmem>>)
        tpu.yield
      }) : () -> ()
      %dma_start3A = arith.constant 0 : i32
      %dma_start3A_12 = arith.constant 0 : i32
      %dma_start3A_13 = tpu.memref_slice %arg3[%dma_start3A, %dma_start3A_12] : memref<2097152x18xf32, #tpu.memory_space<hbm>> -> memref<2097152x18xf32, #tpu.memory_space<hbm>>
      tpu.enqueue_indirect_dma source(%dma_start3A_13 : memref<2097152x18xf32, #tpu.memory_space<hbm>>) target(%arg6 : memref<2048x18xf32, #tpu.memory_space<vmem>>) offsets(%arg5 : memref<2048xi32, #tpu.memory_space<vmem>>) semaphore(%arg7 : memref<!tpu.dma_semaphore, #tpu.memory_space<semaphore_mem>>)
      %dma_wait3A = arith.constant 0 : i32
      %dma_wait3A_14 = arith.constant 0 : i32
      %dma_wait3A_15 = tpu.memref_slice %arg3[%dma_wait3A, %dma_wait3A_14] : memref<2097152x18xf32, #tpu.memory_space<hbm>> -> memref<2097152x18xf32, #tpu.memory_space<hbm>>
      tpu.wait_indirect_dma semaphore(%arg7 : memref<!tpu.dma_semaphore, #tpu.memory_space<semaphore_mem>>) src(%dma_wait3A_15 : memref<2097152x18xf32, #tpu.memory_space<hbm>>) dst(%arg6 : memref<2048x18xf32, #tpu.memory_space<vmem>>)
      "tpu.region"() ({
        %run_scoped3A = tpu.sem_alloc : memref<!tpu.dma_semaphore, #tpu.memory_space<semaphore_mem>>
        %dma_start3A_16 = arith.constant 0 : i32
        %dma_start3A_17 = tpu.memref_slice %arg4[%add3A_11, %dma_start3A_16] : memref<1048576x18xf32, #tpu.memory_space<hbm>> -> memref<2048x18xf32, #tpu.memory_space<hbm>>
        %dma_start3A_18 = arith.constant 0 : i32
        %dma_start3A_19 = tpu.memref_slice %arg4[%add3A_11, %dma_start3A_18] : memref<1048576x18xf32, #tpu.memory_space<hbm>> -> memref<2048x18xf32, #tpu.memory_space<hbm>>
        tpu.enqueue_dma source(%arg6 : memref<2048x18xf32, #tpu.memory_space<vmem>>) target(%dma_start3A_19 : memref<2048x18xf32, #tpu.memory_space<hbm>>) target_semaphore(%run_scoped3A : memref<!tpu.dma_semaphore, #tpu.memory_space<semaphore_mem>>)
        %dma_wait3A_20 = arith.constant 0 : i32
        %dma_wait3A_21 = tpu.memref_slice %arg4[%add3A_11, %dma_wait3A_20] : memref<1048576x18xf32, #tpu.memory_space<hbm>> -> memref<2048x18xf32, #tpu.memory_space<hbm>>
        %dma_wait3A_22 = arith.constant 0 : i32
        %dma_wait3A_23 = tpu.memref_slice %arg4[%add3A_11, %dma_wait3A_22] : memref<1048576x18xf32, #tpu.memory_space<hbm>> -> memref<2048x18xf32, #tpu.memory_space<hbm>>
        tpu.wait_dma2 semaphore(%run_scoped3A : memref<!tpu.dma_semaphore, #tpu.memory_space<semaphore_mem>>) src(%arg6 : memref<2048x18xf32, #tpu.memory_space<vmem>>) dst(%dma_wait3A_23 : memref<2048x18xf32, #tpu.memory_space<hbm>>)
        tpu.yield
      }) : () -> ()
    }
    %scan3A_7 = arith.constant 16 : i32
    return
  }
}

module attributes {stable_mosaic.version = 14 : i64} {
  func.func @_idx_body(%arg0: i32, %arg1: memref<12xf32, #tpu.memory_space<smem>>, %arg2: memref<3x131072xf32, #tpu.memory_space<vmem>>, %arg3: memref<1x131072xi32, #tpu.memory_space<vmem>>) attributes {dimension_semantics = [#tpu.dimension_semantics<arbitrary>], iteration_bounds = array<i64: 8>, scalar_prefetch = 0 : i64, scratch_operands = 0 : i64, tpu.core_type = #tpu.core_type<tc>, window_params = [{transform_indices = @transform_0, window_bounds = array<i64: 12>}, {transform_indices = @transform_1, window_bounds = array<i64: 3, 131072>}, {transform_indices = @transform_2, window_bounds = array<i64: 1, 131072>}]} {
    %get3A = arith.constant 0 : index
    %get3A_0 = arith.constant 0 : index
    %get3A_1 = vector.load %arg2[%get3A, %get3A_0] : memref<3x131072xf32, #tpu.memory_space<vmem>>, vector<1x131072xf32>
    %get3A_2 = arith.constant 1 : index
    %get3A_3 = arith.constant 0 : index
    %get3A_4 = vector.load %arg2[%get3A_2, %get3A_3] : memref<3x131072xf32, #tpu.memory_space<vmem>>, vector<1x131072xf32>
    %get3A_5 = arith.constant 2 : index
    %get3A_6 = arith.constant 0 : index
    %get3A_7 = vector.load %arg2[%get3A_5, %get3A_6] : memref<3x131072xf32, #tpu.memory_space<vmem>>, vector<1x131072xf32>
    %get3A_8 = arith.constant 0 : index
    %get3A_9 = memref.load %arg1[%get3A_8] : memref<12xf32, #tpu.memory_space<smem>>
    %mul3A = vector.broadcast %get3A_9 : f32 to vector<1x131072xf32>
    %mul3A_10 = arith.mulf %mul3A, %get3A_1 : vector<1x131072xf32>
    %get3A_11 = arith.constant 1 : index
    %get3A_12 = memref.load %arg1[%get3A_11] : memref<12xf32, #tpu.memory_space<smem>>
    %mul3A_13 = vector.broadcast %get3A_12 : f32 to vector<1x131072xf32>
    %mul3A_14 = arith.mulf %mul3A_13, %get3A_4 : vector<1x131072xf32>
    %add3A = arith.addf %mul3A_10, %mul3A_14 : vector<1x131072xf32>
    %get3A_15 = arith.constant 2 : index
    %get3A_16 = memref.load %arg1[%get3A_15] : memref<12xf32, #tpu.memory_space<smem>>
    %mul3A_17 = vector.broadcast %get3A_16 : f32 to vector<1x131072xf32>
    %mul3A_18 = arith.mulf %mul3A_17, %get3A_7 : vector<1x131072xf32>
    %add3A_19 = arith.addf %add3A, %mul3A_18 : vector<1x131072xf32>
    %get3A_20 = arith.constant 9 : index
    %get3A_21 = memref.load %arg1[%get3A_20] : memref<12xf32, #tpu.memory_space<smem>>
    %sub3A = vector.broadcast %get3A_21 : f32 to vector<1x131072xf32>
    %sub3A_22 = arith.subf %add3A_19, %sub3A : vector<1x131072xf32>
    %get3A_23 = arith.constant 3 : index
    %get3A_24 = memref.load %arg1[%get3A_23] : memref<12xf32, #tpu.memory_space<smem>>
    %mul3A_25 = vector.broadcast %get3A_24 : f32 to vector<1x131072xf32>
    %mul3A_26 = arith.mulf %mul3A_25, %get3A_1 : vector<1x131072xf32>
    %get3A_27 = arith.constant 4 : index
    %get3A_28 = memref.load %arg1[%get3A_27] : memref<12xf32, #tpu.memory_space<smem>>
    %mul3A_29 = vector.broadcast %get3A_28 : f32 to vector<1x131072xf32>
    %mul3A_30 = arith.mulf %mul3A_29, %get3A_4 : vector<1x131072xf32>
    %add3A_31 = arith.addf %mul3A_26, %mul3A_30 : vector<1x131072xf32>
    %get3A_32 = arith.constant 5 : index
    %get3A_33 = memref.load %arg1[%get3A_32] : memref<12xf32, #tpu.memory_space<smem>>
    %mul3A_34 = vector.broadcast %get3A_33 : f32 to vector<1x131072xf32>
    %mul3A_35 = arith.mulf %mul3A_34, %get3A_7 : vector<1x131072xf32>
    %add3A_36 = arith.addf %add3A_31, %mul3A_35 : vector<1x131072xf32>
    %get3A_37 = arith.constant 10 : index
    %get3A_38 = memref.load %arg1[%get3A_37] : memref<12xf32, #tpu.memory_space<smem>>
    %sub3A_39 = vector.broadcast %get3A_38 : f32 to vector<1x131072xf32>
    %sub3A_40 = arith.subf %add3A_36, %sub3A_39 : vector<1x131072xf32>
    %get3A_41 = arith.constant 6 : index
    %get3A_42 = memref.load %arg1[%get3A_41] : memref<12xf32, #tpu.memory_space<smem>>
    %mul3A_43 = vector.broadcast %get3A_42 : f32 to vector<1x131072xf32>
    %mul3A_44 = arith.mulf %mul3A_43, %get3A_1 : vector<1x131072xf32>
    %get3A_45 = arith.constant 7 : index
    %get3A_46 = memref.load %arg1[%get3A_45] : memref<12xf32, #tpu.memory_space<smem>>
    %mul3A_47 = vector.broadcast %get3A_46 : f32 to vector<1x131072xf32>
    %mul3A_48 = arith.mulf %mul3A_47, %get3A_4 : vector<1x131072xf32>
    %add3A_49 = arith.addf %mul3A_44, %mul3A_48 : vector<1x131072xf32>
    %get3A_50 = arith.constant 8 : index
    %get3A_51 = memref.load %arg1[%get3A_50] : memref<12xf32, #tpu.memory_space<smem>>
    %mul3A_52 = vector.broadcast %get3A_51 : f32 to vector<1x131072xf32>
    %mul3A_53 = arith.mulf %mul3A_52, %get3A_7 : vector<1x131072xf32>
    %add3A_54 = arith.addf %add3A_49, %mul3A_53 : vector<1x131072xf32>
    %get3A_55 = arith.constant 11 : index
    %get3A_56 = memref.load %arg1[%get3A_55] : memref<12xf32, #tpu.memory_space<smem>>
    %sub3A_57 = vector.broadcast %get3A_56 : f32 to vector<1x131072xf32>
    %sub3A_58 = arith.subf %add3A_54, %sub3A_57 : vector<1x131072xf32>
    %mul3A_59 = arith.constant 1.270000e+02 : f32
    %mul3A_60 = vector.broadcast %mul3A_59 : f32 to vector<1x131072xf32>
    %mul3A_61 = arith.mulf %sub3A_22, %mul3A_60 : vector<1x131072xf32>
    %floor3A = math.floor %mul3A_61 : vector<1x131072xf32>
    %mul3A_62 = arith.constant 1.270000e+02 : f32
    %mul3A_63 = vector.broadcast %mul3A_62 : f32 to vector<1x131072xf32>
    %mul3A_64 = arith.mulf %sub3A_40, %mul3A_63 : vector<1x131072xf32>
    %floor3A_65 = math.floor %mul3A_64 : vector<1x131072xf32>
    %mul3A_66 = arith.constant 1.270000e+02 : f32
    %mul3A_67 = vector.broadcast %mul3A_66 : f32 to vector<1x131072xf32>
    %mul3A_68 = arith.mulf %sub3A_58, %mul3A_67 : vector<1x131072xf32>
    %floor3A_69 = math.floor %mul3A_68 : vector<1x131072xf32>
    %mul3A_70 = arith.constant 1.280000e+02 : f32
    %mul3A_71 = vector.broadcast %mul3A_70 : f32 to vector<1x131072xf32>
    %mul3A_72 = arith.mulf %floor3A_65, %mul3A_71 : vector<1x131072xf32>
    %add3A_73 = arith.addf %floor3A, %mul3A_72 : vector<1x131072xf32>
    %mul3A_74 = arith.constant 1.638400e+04 : f32
    %mul3A_75 = vector.broadcast %mul3A_74 : f32 to vector<1x131072xf32>
    %mul3A_76 = arith.mulf %floor3A_69, %mul3A_75 : vector<1x131072xf32>
    %add3A_77 = arith.addf %add3A_73, %mul3A_76 : vector<1x131072xf32>
    %convert_element_type3A = arith.fptosi %add3A_77 : vector<1x131072xf32> to vector<1x131072xi32>
    %swap3A = arith.constant 0 : index
    %swap3A_78 = arith.constant 0 : index
    %swap3A_79 = vector.load %arg3[%swap3A, %swap3A_78] : memref<1x131072xi32, #tpu.memory_space<vmem>>, vector<1x131072xi32>
    tpu.vector_store %arg3[%swap3A, %swap3A_78], %convert_element_type3A {strides = array<i32>} : memref<1x131072xi32, #tpu.memory_space<vmem>>, vector<1x131072xi32>,
    return
  }
  func.func @transform_0(%arg0: i32) -> i32 {
    %c0_i32 = arith.constant 0 : i32
    %c0_i32_0 = arith.constant 0 : i32
    return %c0_i32 : i32
  }
  func.func @transform_1(%arg0: i32) -> (i32, i32) {
    %c0_i32 = arith.constant 0 : i32
    %c0_i32_0 = arith.constant 0 : i32
    return %c0_i32, %arg0 : i32, i32
  }
  func.func @transform_2(%arg0: i32) -> (i32, i32) {
    %c0_i32 = arith.constant 0 : i32
    %c0_i32_0 = arith.constant 0 : i32
    return %c0_i32, %arg0 : i32, i32
  }
}

</mosaic_0001>

<sc_bundles>
// kernel: kernel.4.cloned.1.call-start
scs
__scs_entry_jumppad:
0x0: {  	(pc) =	sbr.rel $0x88, $3  }
0x1: {  	(tag) =	ssettag $0x0;
	lr =	simm.s32 $0x1  }
0x2: {  	[smem:$0x3F9E] =	sst lr;
	_ =	strace $0xD0000000  }
0x3: {  	_ = 	snop  }
0x4: {  	_ = 	snop  }
0x5: {  	_ = 	snop  }
0x6: {  	_ = 	snop  }
0x7: {  	_ = 	snop  }
__scs_overlays_trampoline_lowered:
0x8: {  	[smem:$0x3FAD] =	sst s0  }
0x9: {  	[smem:$0x3FAE] =	sst s1  }
0xa: {  	[smem:$0x3FAF] =	sst s2  }
0xb: {  	[smem:$0x3FB0] =	sst s3  }
0xc: {  	[smem:$0x3FB1] =	sst s4  }
0xd: {  	[smem:$0x3FB2] =	sst s5  }
0xe: {  	[smem:$0x3FB3] =	sst s6  }
0xf: {  	[smem:$0x3FB4] =	sst s7  }
0x10: {  	[smem:$0x3FB5] =	sst s8  }
0x11: {  	[smem:$0x3FB6] =	sst s9;
	s0 =	simm.s32 @!p0 $0x0  }
0x12: {  	s1 =	sld [smem:$0x3F9C];
	s0 =	simm.s32 @p0 $0x1  }
0x13: {  	[smem:$0x3FB7] =	sst s0;
	s0 =	simm.s32 @!p1 $0x0  }
0x14: {  	s2 =	sld [smem:$0x3F9B];
	s0 =	simm.s32 @p1 $0x1  }
0x15: {  	[smem:$0x3FB8] =	sst s0;
	s0 =	simm.s32 @!p2 $0x0  }
0x16: {  	s3 =	sld [smem:$0x3FDB];
	s0 =	simm.s32 @p2 $0x1  }
0x17: {  	s4 =	simm.s32 $0x1BF5;
	[smem:$0x3FBA] =	sst s0  }
0x18: {  	s0 =	sld [smem:$0x3F9D];
	_ =	swait.ge [sflag:s4], $0x0  }
0x19: {  	s7 =	sld [smem:$0x3F9E]  }
0x1a: {  	s8 =	sadd.s32 $0xFFFFE003, lr  }
0x1b: {  	s9 =	sadd.s32 $0xFFFFFEF7, lr;
	s5 =	simm.s32 $0xFFFFFFFF;
	p2 =	slt.u32 s8, $0xFFFFF086  }
0x1c: {  	p1 =	slt.u32 s9, $0xF7A;
	s5 =	simm.s32 @!p2 $0x0  }
0x1d: {  	s5 =	simm.s32 @p1 $0x1;
	p0 =	seq.s32 s7, s2  }
0x1e: {  	s7 =	smul.u32 @!p0 $0xF7A, s2;
	p2 =	seq.s32 @!p0 s5, $0x0  }
0x1f: {  	s9 =	smul.u32 $0xF7A, s1;
	s8 =	simm.s32 @!p0 $0x1BF5;
	p2 =	por !p2, p0  }
0x20: {  	[sflag:s8] =	ssyncset.s32 @!p0 $0xFFFFF086;
	s6 =	sadd.s32 @!p0 s3, s7;
	s7 =	simm.s32 @!p0 $0x108  }
0x21: {  	s3 =	sadd.s32 s3, s9;
	s6 =	sadd.s32 @!p0 $0x88, s6;
	s7 =	simm.s32 @p2 $0x1082  }
0x22: {  	[simem:s7], [sflag:s8] =	dma.local @!p0 [hbm:s6], $0xF7A  }
0x23: {  	s9 =	sor.u32 $0xD0000000, s2;
	s6 =	simm.s32 $0x108;
	_ =	swait.ge @!p0 [sflag:s8], $0x0  }
0x24: {  	s3 =	sadd.s32 $0x88, s3;
	s6 =	simm.s32 @!p1 $0x1082;
	[sflag:s4] =	ssyncset.s32 $0xFFFFF086  }
0x25: {  	[simem:s6], [sflag:s4] =	dma.local [hbm:s3], $0xF7A  }
0x26: {  	[smem:$0x3F9E] =	sst s1;
	(tag) =	ssettag s2;
	_ =	strace s9  }
0x27: {  	s1 =	sld [smem:$0x3FAE]  }
0x28: {  	s2 =	sld [smem:$0x3FAF]  }
0x29: {  	s4 =	sld [smem:$0x3FB1]  }
0x2a: {  	p0 =	seq.s32 s5, $0x0;
	s5 =	sld [smem:$0x3FB2]  }
0x2b: {  	s6 =	sld [smem:$0x3FB3]  }
0x2c: {  	s7 =	sld [smem:$0x3FB4]  }
0x2d: {  	s3 =	simm.s32 $0x108;
	s8 =	sld [smem:$0x3FB5]  }
0x2e: {  	s3 =	simm.s32 @!p0 $0x1082;
	s9 =	sld [smem:$0x3FB6]  }
0x2f: {  	lr =	sadd.s32 s0, s3;
	s0 =	sld [smem:$0x3FAD]  }
0x30: {  	s3 =	sld [smem:$0x3FB0]  }
0x31: {  	[smem:$0x3FB9] =	sst s10  }
0x32: {  	s10 =	sld [smem:$0x3FB7];
	_ =	sdelay $0x3  }
0x33: {  	p0 =	seq.s32 s10, $0x1;
	s10 =	sld [smem:$0x3FB9];
	_ =	sdelay $0x3  }
0x34: {  	[smem:$0x3FB9] =	sst s10  }
0x35: {  	s10 =	sld [smem:$0x3FB8];
	_ =	sdelay $0x3  }
0x36: {  	p1 =	seq.s32 s10, $0x1;
	s10 =	sld [smem:$0x3FB9];
	_ =	sdelay $0x3  }
0x37: {  	[smem:$0x3FB9] =	sst s10  }
0x38: {  	s10 =	sld [smem:$0x3FBA]  }
0x39: {  	_ = 	snop;
	(pc) =	sbr.ind lr, $3  }
0x3a: {  	_ = 	snop  }
0x3b: {  	_ = 	snop  }
0x3c: {  	p2 =	seq.s32 s10, $0x1;
	s10 =	sld [smem:$0x3FB9]  }
0x3d: {  	_ =	shalt  }
0x3e: {  	_ =	shalt  }
0x3f: {  	_ =	shalt  }
0x40: {  	_ =	shalt  }
0x41: {  	_ =	shalt  }
0x42: {  	_ =	shalt  }
0x43: {  	_ =	shalt  }
0x44: {  	_ =	shalt  }
0x45: {  	_ =	shalt  }
0x46: {  	_ =	shalt  }
0x47: {  	_ =	shalt  }
0x48: {  	_ =	shalt  }
0x49: {  	_ =	shalt  }
0x4a: {  	_ =	shalt  }
0x4b: {  	_ =	shalt  }
0x4c: {  	_ =	shalt  }
0x4d: {  	_ =	shalt  }
0x4e: {  	_ =	shalt  }
0x4f: {  	_ =	shalt  }
0x50: {  	_ =	shalt  }
0x51: {  	_ =	shalt  }
0x52: {  	_ =	shalt  }
0x53: {  	_ =	shalt  }
0x54: {  	_ =	shalt  }
0x55: {  	_ =	shalt  }
0x56: {  	_ =	shalt  }
0x57: {  	_ =	shalt  }
0x58: {  	_ =	shalt  }
0x59: {  	_ =	shalt  }
0x5a: {  	_ =	shalt  }
0x5b: {  	_ =	shalt  }
0x5c: {  	_ =	shalt  }
0x5d: {  	_ =	shalt  }
0x5e: {  	_ =	shalt  }
0x5f: {  	_ =	shalt  }
0x60: {  	_ =	shalt  }
0x61: {  	_ =	shalt  }
0x62: {  	_ =	shalt  }
0x63: {  	_ =	shalt  }
0x64: {  	_ =	shalt  }
0x65: {  	_ =	shalt  }
0x66: {  	_ =	shalt  }
0x67: {  	_ =	shalt  }
0x68: {  	_ =	shalt  }
0x69: {  	_ =	shalt  }
0x6a: {  	_ =	shalt  }
0x6b: {  	_ =	shalt  }
0x6c: {  	_ =	shalt  }
0x6d: {  	_ =	shalt  }
0x6e: {  	_ =	shalt  }
0x6f: {  	_ =	shalt  }
0x70: {  	_ =	shalt  }
0x71: {  	_ =	shalt  }
0x72: {  	_ =	shalt  }
0x73: {  	_ =	shalt  }
0x74: {  	_ =	shalt  }
0x75: {  	_ =	shalt  }
0x76: {  	_ =	shalt  }
0x77: {  	_ =	shalt  }
0x78: {  	_ =	shalt  }
0x79: {  	_ =	shalt  }
0x7a: {  	_ =	shalt  }
0x7b: {  	_ =	shalt  }
0x7c: {  	_ =	shalt  }
0x7d: {  	_ =	shalt  }
0x7e: {  	_ =	shalt  }
0x7f: {  	_ =	shalt  }
0x80: {  	_ =	shalt  }
0x81: {  	_ =	shalt  }
0x82: {  	_ =	shalt  }
0x83: {  	_ =	shalt  }
0x84: {  	_ =	shalt  }
0x85: {  	_ =	shalt  }
0x86: {  	_ =	shalt  }
0x87: {  	_ =	shalt  }
.Lfunc_end0:
.L_simem_size_0:
called_computation.1_lowered:
.L_overlay_start_0:
0x88: {  	s2 =	sld [smem:$0x3FD9]  }
0x89: {  	s3 =	sld [smem:$0x3FFE];
	_ =	sdelay $0x1  }
0x8a: {  	s1 =	srdreg.scid  }
0x8b: {  	s0 =	sand.u32 $0x1, s1  }
0x8c: {  	s17 =	sshll.u32 s0, $0xA;
	s2 =	sadd.s32 s3, s2  }
0x8d: {  	s2 =	sadd.s32 s2, s17  }
0x8e: {  	[smem:$0x3FC5] =	sst s2  }
0x8f: {  	_ = 	snop  }
0x90: {  	s2 =	sld [smem:$0x3FD0];
	(tm) =	ssettm $0x1  }
0x91: {  	s18 =	sld [smem:$0x3FFB];
	_ =	sdelay $0x3  }
0x92: {  	_ =	strace s18  }
0x93: {  	s3 =	sld [smem:$0x3FFC];
	_ =	sdelay $0x3  }
0x94: {  	_ =	strace s3  }
0x95: {  	s3 =	sld [smem:$0x3FFD];
	_ =	sdelay $0x3  }
0x96: {  	_ =	strace s3  }
0x97: {  	_ =	strace $0x8FFFFFFF  }
0x98: {  	s19 =	sld [smem:$0x3FDB];
	_ =	sdelay $0x1  }
0x99: {  	s4 =	simm.s32 $_scs_section_size  }
0x9a: {  	s5 =	simm.s32 $_size__tile_overlayer_lowered;
	s6 =	simm.s32 $_tile_overlayer_lowered  }
0x9b: {  	s22 =	simm.s32 $0x1BFF;
	s21 =	sshll.u32 s6, $0x1;
	s3 =	sadd.s32 s4, s19  }
0x9c: {  	s7 =	simm.s32 $0x0;
	s20 =	sshll.u32 s5, $0x1;
	s5 =	sadd.s32 s21, s3  }
0x9d: {  	[timem:s7], [sflag:s22] =	dma.local [hbm:s5], s20  }
0x9e: {  	_ =	swait.ge [sflag:s22], s20  }
0x9f: {  	s4 =	ssub.s32 $0x0, s20;
	[sflag:s22] =	ssyncset.done $0x0  }
0xa0: {  	[sflag:s22] =	ssyncadd.s32 s4;
	_ =	sdelay $0x1  }
0xa1: {  	s23 =	simm.s32 $0x1B8B  }
0xa2: {  	_ =	swait.ge [sflag:s23], $0x1  }
0xa3: {  	[sflag:s23] =	ssyncset.done $0x0  }
0xa4: {  	s25 =	simm.s32 $0x1B8E;
	s24 =	sld [smem:$0x3FFE];
	[sflag:s23] =	ssyncadd.s32 $0xFFFFFFFF  }
0xa5: {  	s26 =	simm.s32 $execute0_lowered;
	[smem:$0x3FD2] =	sst s25  }
0xa6: {  	s5 =	sshll.u32 s26, $0x1;
	_ =	strace $0x80000046;
	[dreg:$0x1] =	wrdreg $0xFFFFFFFF  }
0xa7: {  	s28 =	simm.s32 $_size_execute0_lowered;
	s3 =	sadd.s32 s3, s5;
	[dreg:$0x0] =	wrdreg $0x0  }
0xa8: {  	s5 =	sshll.u32 s28, $0x1;
	[dreg:$0x2] =	wrdreg s3  }
0xa9: {  	[dreg:$0x3] =	wrdreg s5  }
0xaa: {  	[dreg:$0x4] =	wrdreg $0xC0  }
0xab: {  	_ =	task [dreg:s7], $0x5FFFF  }
0xac: {  	[dreg:$0x1] =	wrdreg $0xFFFFFFFF  }
0xad: {  	[dreg:$0x0] =	wrdreg $0x60  }
0xae: {  	[dreg:$0x2] =	wrdreg s24  }
0xaf: {  	[dreg:$0x3] =	wrdreg s2  }
0xb0: {  	[dreg:$0x4] =	wrdreg $0x9  }
0xb1: {  	_ =	task.clear_ibuf [dreg:s7], $0x5FFFF;
	_ =	strace $0x90000046  }
0xb2: {  	s29 =	simm.s32 $0x9;
	_ =	strace $0x80000048  }
0xb3: {  	_ =	swait.ge [sflag:s29], $0x1  }
0xb4: {  	[sflag:s29] =	ssyncadd.s32 $0xFFFFFFFF  }
0xb5: {  	_ =	strace $0x90000048  }
0xb6: {  	_ =	sfence  }
0xb7: {  	s30 =	sld [smem:$0x0];
	_ =	sdelay $0x2  }
0xb8: {  	s31 =	sshll.u32 s1, $0xD;
	s1 =	sshrl.u32 s1, $0x2  }
0xb9: {  	s3 =	sand.u32 $0x4000, s31;
	s1 =	sadd.s32 s1, s30  }
0xba: {  	s0 =	sor.u32 s3, s0;
	s1 =	sshll.u32 s1, $0x11  }
0xbb: {  	s0 =	sor.u32 s1, s0  }
0xbc: {  	s0 =	sadd.s32 $0x8F2B, s0  }
0xbd: {  	[sflag:s0] =	ssyncadd.remote.s32 $0x1  }
0xbe: {  	_ =	sfence.sel $0xFFFF  }
0xbf: {  	[dreg:$0x0] =	wrdreg $0xFFFFFFFF;
	(pc) =	sbr.abs _section_cstart, $3  }
0xc0: {  	[dreg:$0x1] =	wrdreg $0xFFFFFFFF  }
0xc1: {  	_ =	task.clear_ibuf [dreg:s7], $0x2FFFF;
	_ =	strace $0x9FFFFFFF  }
0xc2: {  	(tm) =	ssettm $0x7FFFFFFF  }
0xc3: {  	_ =	shalt  }
tec
execute0_lowered:
.L_overlay_start_1:
0x0: {  	(tag) =	ssettag $0x1  }
0x1: {  	s3 =	rddreg [dreg:$0x0]  }
0x2: {  	s5 =	rddreg [dreg:$0x1]  }
0x3: {  	s0 =	rddreg [dreg:$0x2];
	s4 =	srdreg.scid  }
0x4: {  	s2 =	simm.s32 $0x0;
	s1 =	stileid.u32;
	s10 =	simm.s32 $0x0  }
0x5: {  	s4 =	sand.u32 $0x1, s4;
	[smem:$0x7FF] =	sst s2;
	s6 =	sshll.u32 s1, $0x10  }
0x6: {  	s9 =	smul.u32 $0x30000, s1;
	s7 =	sshll.u32 s4, $0xF;
	_ =	strace $0x80000047  }
0x7: {  	s29 =	ssub.s32 $0x2, s4;
	s30 =	smul.u32 $0x18000, s4;
	s6 =	sor.u32 s7, s6  }
0x8: {  	s8 =	sshrl.u32 s29, $0x1;
	s31 =	sadd.s32 s9, s5;
	s9 =	simm.s32 $0x1  }
0x9: {  	s6 =	sshrl.u32 s6, $0x3;
	s7 =	ssub.s32 s29, s8;
	s8 =	simm.s32 $0x800  }
0xa: {  	s6 =	sadd.s32 s6, s3;
	s3 =	sadd.s32 $0x1200, s3;
	s4 =	smax.u32 s7, $0x1  }
0xb: {  	s7 =	simm.s32 $0x2;
	s5 =	sadd.s32 $0x601200, s6;
	s6 =	sadd.s32 s30, s31  }
.LBB2_1:
0xc: {  	s11 =	sadd.s32 $0x0, s5  }
0xd: {  	[tilespmem:s2], [sflag:$0x2] =	stream.linear.gather [hbm4b:s11+s2], $0x800, $0x38;
	[tilespmem:$0xC800] =	vst v63  }
0xe: {  	_ =	swait.ge [sflag:s7], $0x800  }
0xf: {  	[sflag:s7] =	ssyncset.done $0x0  }
0x10: {  	[sflag:s7] =	ssyncadd.s32 $0xFFFFF800  }
0x11: {  	[tilespmem:s8], [sflag:$0x1] =	stream.indirect.gather [hbm4b:s3+s8], $0x12, s2, s8, $0xb8;
	[tilespmem:$0xC800] =	vst v63  }
0x12: {  	_ =	swait.ge [sflag:s9], $0x9000  }
0x13: {  	[sflag:s9] =	ssyncset.done $0x0  }
0x14: {  	[sflag:s9] =	ssyncadd.s32 $0xFFFF7000  }
0x15: {  	[hbm4b:s6+s2] =	stream.linear.scatter [tilespmem:s8], [sflag:$0x2], $0xC000, $0x38;
	[tilespmem:$0xC800] =	vst v63  }
0x16: {  	s12 =	simm.s32 $0x100;
	_ =	swait.ge [sflag:s7], $0xC000  }
0x17: {  	s13 =	simm.s32 $0x200;
	s11 =	sadd.s32 $0x1800, s6;
	[sflag:s7] =	ssyncset.done $0x0  }
.LBB2_2:
0x18: {  	s14 =	sadd.s32 s12, s5  }
0x19: {  	[sflag:s7] =	ssyncadd.s32 $0xFFFF4000;
	s12 =	smov.u32 s13;
	s15 =	sadd.s32 $0x100, s13  }
0x1a: {  	[tilespmem:s2], [sflag:$0x2] =	stream.linear.gather [hbm4b:s14+s2], $0x800, $0x38;
	[tilespmem:$0xC800] =	vst v63  }
0x1b: {  	p0 =	sne.s32 s13, $0xF00;
	_ =	swait.ge [sflag:s7], $0x800  }
0x1c: {  	[sflag:s7] =	ssyncset.done $0x0  }
0x1d: {  	[sflag:s7] =	ssyncadd.s32 $0xFFFFF800  }
0x1e: {  	[tilespmem:s8], [sflag:$0x1] =	stream.indirect.gather [hbm4b:s3+s8], $0x12, s2, s8, $0xb8;
	[tilespmem:$0xC800] =	vst v63  }
0x1f: {  	_ =	swait.ge [sflag:s9], $0x9000  }
.Ltmp0:
0x20: {  	[sflag:s9] =	ssyncset.done $0x0;
	(pc) =	sbr.rel @p0 .LBB2_2-.Ltmp0, $4  }
0x21: {  	[sflag:s9] =	ssyncadd.s32 $0xFFFF7000  }
0x22: {  	[hbm4b:s11+s2] =	stream.linear.scatter [tilespmem:s8], [sflag:$0x2], $0xC000, $0x38;
	[tilespmem:$0xC800] =	vst v63  }
0x23: {  	_ =	swait.ge [sflag:s7], $0xC000  }
0x24: {  	s13 =	smov.u32 s15;
	s11 =	sadd.s32 $0x1800, s11;
	[sflag:s7] =	ssyncset.done $0x0  }
0x25: {  	s12 =	sadd.s32 s12, s5;
	[sflag:s7] =	ssyncadd.s32 $0xFFFF4000  }
0x26: {  	[tilespmem:s2], [sflag:$0x2] =	stream.linear.gather [hbm4b:s12+s2], $0x800, $0x38;
	[tilespmem:$0xC800] =	vst v63  }
0x27: {  	_ =	swait.ge [sflag:s7], $0x800  }
0x28: {  	[sflag:s7] =	ssyncset.done $0x0  }
0x29: {  	[sflag:s7] =	ssyncadd.s32 $0xFFFFF800  }
0x2a: {  	[tilespmem:s8], [sflag:$0x1] =	stream.indirect.gather [hbm4b:s3+s8], $0x12, s2, s8, $0xb8;
	[tilespmem:$0xC800] =	vst v63  }
0x2b: {  	s10 =	sadd.s32 $0x1, s10;
	_ =	swait.ge [sflag:s9], $0x9000  }
0x2c: {  	p0 =	sne.s32 s10, s4;
	[sflag:s9] =	ssyncset.done $0x0  }
.Ltmp1:
0x2d: {  	[sflag:s9] =	ssyncadd.s32 $0xFFFF7000;
	(pc) =	sbr.rel @p0 .LBB2_1-.Ltmp1, $4  }
0x2e: {  	[hbm4b:s11+s2] =	stream.linear.scatter [tilespmem:s8], [sflag:$0x2], $0xC000, $0x38;
	[tilespmem:$0xC800] =	vst v63  }
0x2f: {  	_ =	swait.ge [sflag:s7], $0xC000  }
0x30: {  	[sflag:s7] =	ssyncset.done $0x0  }
0x31: {  	[sflag:s7] =	ssyncadd.s32 $0xFFFF4000  }
0x32: {  	_ =	sfence.sel $0x180000  }
0x33: {  	[bflag:$0x0] =	sbarrier.arrive $0xFFFF  }
0x34: {  	p0 =	sne.s32 s1, $0x0;
	_ =	strace $0x90000047  }
0x35: {  	s0 =	sadd.s32 @!p0 $0x100000, s0;
	[bflag:$0x2] =	sbarrier.arrive $0xFFFF  }
0x36: {  	[sflag:s0] =	ssyncadd.tile.s32 @!p0 $0x1;
	_ =	shalt  }
.Lfunc_end2:
_tile_overlayer_lowered:
.L_overlay_start_2:
0x37: {  	(tag) =	ssettag $0x2  }
0x38: {  	s0 =	rddreg [dreg:$0x0];
	s2 =	stileid.u32  }
0x39: {  	s1 =	rddreg [dreg:$0x1];
	p0 =	sne.s32 s2, $0x0  }
0x3a: {  	s3 =	rddreg [dreg:$0x2];
	[bflag:$0x3] =	sbarrier.arrive $0xFFFF;
	s2 =	simm.s32 @!p0 $0x1C02  }
0x3b: {  	[timem:s3], [sflag:s2] =	dma.local @!p0 [hbm:s0], s1  }
0x3c: {  	s0 =	simm.s32 @!p0 $0x2  }
0x3d: {  	_ =	swait.ge @!p0 [sflag:s0], s1  }
0x3e: {  	s1 =	ssub.s32 @!p0 $0x0, s1;
	[sflag:s0] =	ssyncset.done @!p0 $0x0  }
0x3f: {  	[sflag:s0] =	ssyncadd.s32 @!p0 s1  }
0x40: {  	[bflag:$0x3] =	sbarrier.arrive $0xFFFF  }
0x41: {  	_ =	shalt  }

// kernel: sparse-core-data-format-call.cloned.1.call-start
scs
called_computation_lowered:
.L_overlay_start_0:
0x0: {  	s2 =	sld [smem:$0x3FD9]  }
0x1: {  	s3 =	sld [smem:$0x3FFE];
	_ =	sdelay $0x1  }
0x2: {  	s1 =	srdreg.scid  }
0x3: {  	s0 =	sand.u32 $0x1, s1  }
0x4: {  	s18 =	sshll.u32 s0, $0xA;
	s2 =	sadd.s32 s3, s2  }
0x5: {  	s2 =	sadd.s32 s2, s18  }
0x6: {  	[smem:$0x3FC5] =	sst s2  }
0x7: {  	_ = 	snop  }
0x8: {  	s2 =	sld [smem:$0x3FD0];
	(tm) =	ssettm $0x1  }
0x9: {  	s19 =	sld [smem:$0x3FFB];
	_ =	sdelay $0x3  }
0xa: {  	_ =	strace s19  }
0xb: {  	s3 =	sld [smem:$0x3FFC];
	_ =	sdelay $0x3  }
0xc: {  	_ =	strace s3  }
0xd: {  	s3 =	sld [smem:$0x3FFD];
	_ =	sdelay $0x3  }
0xe: {  	_ =	strace s3  }
0xf: {  	_ =	strace $0x8FFFFFFF  }
0x10: {  	s20 =	sld [smem:$0x3FDB];
	_ =	sdelay $0x1  }
0x11: {  	s4 =	simm.s32 $_scs_section_size  }
0x12: {  	s5 =	simm.s32 $_size__tile_overlayer_lowered;
	s6 =	simm.s32 $_tile_overlayer_lowered  }
0x13: {  	s23 =	simm.s32 $0x1BFF;
	s22 =	sshll.u32 s6, $0x1;
	s3 =	sadd.s32 s4, s20  }
0x14: {  	s7 =	simm.s32 $0x0;
	s21 =	sshll.u32 s5, $0x1;
	s5 =	sadd.s32 s22, s3  }
0x15: {  	[timem:s7], [sflag:s23] =	dma.local [hbm:s5], s21  }
0x16: {  	_ =	swait.ge [sflag:s23], s21  }
0x17: {  	s4 =	ssub.s32 $0x0, s21;
	[sflag:s23] =	ssyncset.done $0x0  }
0x18: {  	[sflag:s23] =	ssyncadd.s32 s4;
	_ =	sdelay $0x1  }
0x19: {  	s24 =	simm.s32 $0x1B8B  }
0x1a: {  	_ =	swait.ge [sflag:s24], $0x1  }
0x1b: {  	[sflag:s24] =	ssyncset.done $0x0  }
0x1c: {  	s26 =	simm.s32 $0x1B8E;
	s25 =	sld [smem:$0x3FFE];
	[sflag:s24] =	ssyncadd.s32 $0xFFFFFFFF  }
0x1d: {  	s27 =	simm.s32 $execute0_lowered;
	[smem:$0x3FD2] =	sst s26  }
0x1e: {  	s5 =	sshll.u32 s27, $0x1;
	_ =	strace $0x80000049;
	[dreg:$0x1] =	wrdreg $0xFFFFFFFF  }
0x1f: {  	s28 =	simm.s32 $_size_execute0_lowered;
	s3 =	sadd.s32 s3, s5;
	[dreg:$0x0] =	wrdreg $0x0  }
0x20: {  	s5 =	sshll.u32 s28, $0x1;
	[dreg:$0x2] =	wrdreg s3  }
0x21: {  	[dreg:$0x3] =	wrdreg s5  }
0x22: {  	[dreg:$0x4] =	wrdreg $0xC0  }
0x23: {  	_ =	task [dreg:s7], $0x5FFFF  }
0x24: {  	[dreg:$0x1] =	wrdreg $0xFFFFFFFF  }
0x25: {  	[dreg:$0x0] =	wrdreg $0x60  }
0x26: {  	[dreg:$0x2] =	wrdreg s25  }
0x27: {  	[dreg:$0x3] =	wrdreg s2  }
0x28: {  	[dreg:$0x4] =	wrdreg $0x9  }
0x29: {  	_ =	task.clear_ibuf [dreg:s7], $0x5FFFF;
	_ =	strace $0x90000049  }
0x2a: {  	s29 =	simm.s32 $0x9;
	_ =	strace $0x8000004B  }
0x2b: {  	_ =	swait.ge [sflag:s29], $0x1  }
0x2c: {  	[sflag:s29] =	ssyncadd.s32 $0xFFFFFFFF  }
0x2d: {  	_ =	strace $0x9000004B  }
0x2e: {  	_ =	sfence  }
0x2f: {  	s30 =	sld [smem:$0x0];
	_ =	sdelay $0x2  }
0x30: {  	s31 =	sshll.u32 s1, $0xD;
	s1 =	sshrl.u32 s1, $0x2  }
0x31: {  	s3 =	sand.u32 $0x4000, s31;
	s1 =	sadd.s32 s1, s30  }
0x32: {  	s0 =	sor.u32 s3, s0;
	s1 =	sshll.u32 s1, $0x11  }
0x33: {  	s0 =	sor.u32 s1, s0  }
0x34: {  	s0 =	sadd.s32 $0x8F2B, s0  }
0x35: {  	[sflag:s0] =	ssyncadd.remote.s32 $0x1  }
0x36: {  	_ =	sfence.sel $0xFFFF  }
0x37: {  	[dreg:$0x0] =	wrdreg $0xFFFFFFFF;
	(pc) =	sbr.abs _section_cstart, $3  }
0x38: {  	[dreg:$0x1] =	wrdreg $0xFFFFFFFF  }
0x39: {  	_ =	task.clear_ibuf [dreg:s7], $0x2FFFF;
	_ =	strace $0x9FFFFFFF  }
0x3a: {  	(tm) =	ssettm $0x7FFFFFFF  }
0x3b: {  	_ =	shalt  }
tec
execute0_lowered:
.L_overlay_start_1:
0x0: {  	(tag) =	ssettag $0x1  }
0x1: {  	s0 =	srdreg.scid  }
0x2: {  	s1 =	sshll.u32 s0, $0x4  }
0x3: {  	s0 =	stileid.u32;
	s1 =	sand.u32 $0x10, s1  }
0x4: {  	s1 =	sor.u32 s0, s1  }
0x5: {  	s6 =	rddreg [dreg:$0x0];
	s2 =	sshll.u32 s1, $0x7  }
0x6: {  	s3 =	rddreg [dreg:$0x1];
	s5 =	simm.s32 $0x1;
	s4 =	ssub.s32 $0x100000, s2  }
0x7: {  	s31 =	simm.s32 $0x2;
	s12 =	simm.s32 $0x0;
	s30 =	sand.u32 $0xF80, s4  }
0x8: {  	s11 =	simm.s32 $0x0;
	s8 =	simm.s32 $0x0;
	p0 =	sne.s32 s30, $0x0  }
.Ltmp0:
0x9: {  	s7 =	sshrl.u32 s4, $0xC;
	s5 =	simm.s32 @!p0 $0x0;
	(pc) =	sbr.rel .LBB1_1-.Ltmp0, $4  }
0xa: {  	s10 =	simm.s32 $0x0;
	s1 =	rddreg [dreg:$0x2];
	s5 =	sadd.s32 s5, s7  }
0xb: {  	_ =	strace $0x8000004A;
	s4 =	simm.s32 $0x1;
	s5 =	smul.u32 $0x3, s5  }
0xc: {  	s6 =	sadd.s32 $0x1000, s6;
	s9 =	smov.u32 s2;
	[sflag:s4] =	ssyncpa.u1 $0x0  }
0xd: {  	[sflag:s31] =	ssyncpa.u1 $0x0;
	p0 =	por $0x0, $0x0;
	s7 =	sadd.s32 $0x1, s5  }
.LBB1_4:
0xe: {  	[tilespmem:s22+$0xFFFFFFFA ss:$0x81] =	vst.msk $0xff, v4  }
0xf: {  	v4 =	vld.msk [tilespmem:s24+$0xFFFFFFF0], $0xff;
	_ =	sdelay $0x3  }
0x10: {  	[tilespmem:s19+$0xFFFFFFFB ss:$0x81] =	vst.msk $0xff, v3  }
0x11: {  	v3 =	vld.msk [tilespmem:s21+$0xFFFFFFF8], $0xff;
	[tilespmem:s22+$0xFFFFFFFB ss:$0x81] =	vst.msk $0xff, v4  }
0x12: {  	v4 =	vld.msk [tilespmem:s24+$0xFFFFFFF8], $0xff;
	_ =	sdelay $0x3  }
0x13: {  	v5 =	vld.msk [tilespmem:s20+$0x0], $0xff;
	[tilespmem:s19+$0xFFFFFFFC ss:$0x81] =	vst.msk $0xff, v3  }
0x14: {  	v3 =	vld.msk [tilespmem:s21+$0x0], $0xff;
	[tilespmem:s22+$0xFFFFFFFC ss:$0x81] =	vst.msk $0xff, v4  }
0x15: {  	v4 =	vld.msk [tilespmem:s24+$0x0], $0xff;
	_ =	sdelay $0x2  }
0x16: {  	[tilespmem:s17+$0xFFFFFFFD ss:$0x81] =	vst.msk $0xff, v5  }
0x17: {  	v5 =	vld.msk [tilespmem:s20+$0x8], $0xff;
	[tilespmem:s19+$0xFFFFFFFD ss:$0x81] =	vst.msk $0xff, v3  }
0x18: {  	v3 =	vld.msk [tilespmem:s21+$0x8], $0xff;
	[tilespmem:s22+$0xFFFFFFFD ss:$0x81] =	vst.msk $0xff, v4  }
0x19: {  	v4 =	vld.msk [tilespmem:s24+$0x8], $0xff;
	_ =	sdelay $0x1  }
0x1a: {  	[tilespmem:s15+$0xFFFFFFFE ss:$0x81] =	vst.msk $0xff, v2  }
0x1b: {  	v2 =	vld.msk [tilespmem:s18+$0x10], $0xff;
	[tilespmem:s17+$0xFFFFFFFE ss:$0x81] =	vst.msk $0xff, v5  }
0x1c: {  	v5 =	vld.msk [tilespmem:s20+$0x10], $0xff;
	[tilespmem:s19+$0xFFFFFFFE ss:$0x81] =	vst.msk $0xff, v3  }
0x1d: {  	v3 =	vld.msk [tilespmem:s21+$0x10], $0xff;
	[tilespmem:s22+$0xFFFFFFFE ss:$0x81] =	vst.msk $0xff, v4  }
0x1e: {  	s25 =	sshll.u32 s12, $0x14;
	s26 =	sshll.u32 s11, $0x3;
	v4 =	vld.msk [tilespmem:s24+$0x10], $0xff  }
0x1f: {  	[tilespmem:s14+$0xFFFFFFFF ss:$0x81] =	vst.msk $0xff, v1;
	s25 =	sand.u32 $0xFF800000, s25;
	s27 =	sand.u32 $0xFFFFFC00, s26  }
0x20: {  	v1 =	vld.msk [tilespmem:s16+$0x18], $0xff;
	s31 =	sadd.s32 s27, s25;
	[tilespmem:s15+$0xFFFFFFFF ss:$0x81] =	vst.msk $0xff, v2  }
0x21: {  	s16 =	sshrl.u32 s31, $0x14;
	v2 =	vld.msk [tilespmem:s18+$0x18], $0xff;
	[tilespmem:s17+$0xFFFFFFFF ss:$0x81] =	vst.msk $0xff, v5  }
0x22: {  	v61 =	vld.msk [tilespmem:s20+$0x18], $0xff;
	s20 =	smul.u32 $0xAAB, s16;
	[tilespmem:s19+$0xFFFFFFFF ss:$0x81] =	vst.msk $0xff, v3  }
0x23: {  	s28 =	sand.u32 $0xFFC00, s26;
	v62 =	vld.msk [tilespmem:s21+$0x18], $0xff;
	[tilespmem:s22+$0xFFFFFFFF ss:$0x81] =	vst.msk $0xff, v4  }
0x24: {  	[tilespmem:s13+$0x0 ss:$0x81] =	vst.msk $0xff, v0;
	s25 =	sand.u32 $0x78, s11;
	s27 =	sshll.u32 s12, $0x7;
	s18 =	sshrl.u32 s20, $0x10;
	v63 =	vld.msk [tilespmem:s24+$0x18], $0xff  }
0x25: {  	s12 =	sand.u32 $0x380, s27;
	s13 =	sor.u32 s25, s28;
	[tilespmem:s14+$0x0 ss:$0x81] =	vst.msk $0xff, v1;
	s29 =	smul.u32 $0x18, s18  }
0x26: {  	s12 =	sor.u32 s12, s13;
	[tilespmem:s15+$0x0 ss:$0x81] =	vst.msk $0xff, v2  }
0x27: {  	s12 =	sshrl.u32 s12, $0x3;
	[tilespmem:s17+$0x0 ss:$0x81] =	vst.msk $0xff, v61;
	s30 =	ssub.s32 s16, s29  }
0x28: {  	s12 =	sadd.s32 s3, s12;
	s13 =	sshll.u32 s30, $0x11;
	[tilespmem:s19+$0x0 ss:$0x81] =	vst.msk $0xff, v62  }
0x29: {  	s31 =	sand.u32 $0x7, s11;
	s12 =	sadd.s32 s13, s12;
	[tilespmem:s22+$0x0 ss:$0x81] =	vst.msk $0xff, v63  }
0x2a: {  	[hbm4b:s12+s31] =	stream.linear.scatter [tilespmem:s23], [sflag:$0x2], $0x400, $0x20;
	[tilespmem:$0x1010] =	vst v63  }
.LBB1_5:
0x2b: {  	s13 =	sadd.s32 $0x8, s8  }
0x2c: {  	s11 =	sadd.s32 $0x1000, s9;
	s15 =	smov.u32 s9;
	p2 =	sgt.s32 s13, $0x11  }
0x2d: {  	s15 =	smov.u32 @p2 s11  }
0x2e: {  	s13 =	simm.s32 @p2 $0x0;
	p2 =	sgt.s32 s15, $0xFFFFF  }
0x2f: {  	s15 =	smov.u32 @p2 s2;
	p2 =	sne.s32 s10, s7  }
.Ltmp1:
0x30: {  	p1 =	slt.u32 s10, $0x2;
	(pc) =	sbr.rel @!p2 .LBB1_6-.Ltmp1, $4  }
0x31: {  	s14 =	simm.s32 @!p1 $0x2  }
0x32: {  	s12 =	smov.u32 s8;
	p0 =	por !p0, !p0;
	_ =	swait.ge @!p1 [sflag:s14], $0x400  }
0x33: {  	s11 =	smov.u32 s9;
	[sflag:s14] =	ssyncset.done @!p1 $0x0;
	s8 =	smov.u32 s13  }
0x34: {  	s10 =	sadd.s32 $0x1, s10;
	[sflag:s14] =	ssyncadd.s32 @!p1 $0xFFFFFC00;
	s9 =	smov.u32 s15  }
.LBB1_1:
0x35: {  	p1 =	sge.u32 s10, s5  }
0x36: {  	s31 =	sadd.s32 $0xFFFFFFFF, s10;
	s13 =	sshll.u32 @!p1 s9, $0x7;
	s14 =	sshll.u32 @!p1 s8, $0x3  }
0x37: {  	s15 =	sxor.u32 @!p1 $0xFFFFFFFF, s10;
	s16 =	sand.u32 @!p1 $0x7FFFC00, s13;
	s14 =	sand.u32 @!p1 $0x7FFFC00, s14  }
0x38: {  	s15 =	sshll.u32 @!p1 s15, $0xA;
	s13 =	sand.u32 @!p1 $0x380, s13;
	s14 =	sadd.s32 @!p1 s16, s14  }
0x39: {  	s15 =	sand.u32 @!p1 $0x400, s15;
	s13 =	sor.u32 @!p1 s13, s14;
	s14 =	sshrl.u32 @!p1 s8, $0x3  }
0x3a: {  	s16 =	sand.u32 @!p1 $0x7, s8;
	s13 =	sshrl.u32 @!p1 s13, $0x3;
	s14 =	sand.u32 @!p1 $0xF, s14  }
0x3b: {  	s16 =	sshll.u32 @!p1 s16, $0x12;
	s13 =	sand.u32 @!p1 $0xFFFFF0, s13;
	s14 =	sadd.s32 @!p1 s6, s14  }
0x3c: {  	s13 =	sadd.s32 @!p1 s13, s14;
	s14 =	sor.u32 @!p1 $0x8, s16;
	s16 =	simm.s32 @!p1 $0x80  }
0x3d: {  	[tilespmem:s15], [sflag:$0x1] =	stream.strided.gather @!p1 [hbm4b:s13+s14], $0x400, s16, s14, $0x38;
	[tilespmem:$0x1010] =	vst v63  }
0x3e: {  	p1 =	sge.u32 s31, s5  }
.Ltmp2:
0x3f: {  	_ = 	snop;
	(pc) =	sbr.rel @p1 .LBB1_5-.Ltmp2, $1  }
0x40: {  	_ =	sdelay $0x3  }
0x41: {  	s13 =	simm.s32 $0x1  }
0x42: {  	_ =	swait.ge [sflag:s4], $0x400;
	s13 =	simm.s32 @!p0 $0x0  }
0x43: {  	[sflag:s4] =	ssyncset.done $0x0;
	s14 =	sshll.u32 s13, $0xA  }
0x44: {  	[sflag:s4] =	ssyncadd.s32 $0xFFFFFC00;
	s22 =	sor.u32 $0x20, s14  }
0x45: {  	v0 =	vld.msk [tilespmem:s22+$0xFFFFFFE0], $0xff  }
0x46: {  	s13 =	smul.u32 $0x1020, s13;
	_ =	sdelay $0x1  }
0x47: {  	s13 =	sshrl.u32 s13, $0x2  }
0x48: {  	s13 =	sor.u32 $0x807, s13  }
0x49: {  	[tilespmem:s13+$0xFFFFFFF9 ss:$0x81] =	vst.msk $0xff, v0  }
0x4a: {  	v0 =	vld.msk [tilespmem:s22+$0xFFFFFFE8], $0xff  }
0x4b: {  	s16 =	sadd.s32 $0x40, s22  }
0x4c: {  	v1 =	vld.msk [tilespmem:s16+$0xFFFFFFE0], $0xff;
	_ =	sdelay $0x2  }
0x4d: {  	[tilespmem:s13+$0xFFFFFFFA ss:$0x81] =	vst.msk $0xff, v0  }
0x4e: {  	s14 =	sadd.s32 $0x8, s13;
	v0 =	vld.msk [tilespmem:s22+$0xFFFFFFF0], $0xff  }
0x4f: {  	[tilespmem:s14+$0xFFFFFFF9 ss:$0x81] =	vst.msk $0xff, v1  }
0x50: {  	v1 =	vld.msk [tilespmem:s16+$0xFFFFFFE8], $0xff  }
0x51: {  	s18 =	sadd.s32 $0x40, s16  }
0x52: {  	v2 =	vld.msk [tilespmem:s18+$0xFFFFFFE0], $0xff  }
0x53: {  	[tilespmem:s13+$0xFFFFFFFB ss:$0x81] =	vst.msk $0xff, v0  }
0x54: {  	v0 =	vld.msk [tilespmem:s22+$0xFFFFFFF8], $0xff  }
0x55: {  	[tilespmem:s14+$0xFFFFFFFA ss:$0x81] =	vst.msk $0xff, v1  }
0x56: {  	s15 =	sadd.s32 $0x8, s14;
	v1 =	vld.msk [tilespmem:s16+$0xFFFFFFF0], $0xff  }
0x57: {  	[tilespmem:s15+$0xFFFFFFF9 ss:$0x81] =	vst.msk $0xff, v2  }
0x58: {  	s20 =	sadd.s32 $0x40, s18;
	v2 =	vld.msk [tilespmem:s18+$0xFFFFFFE8], $0xff  }
0x59: {  	[tilespmem:s13+$0xFFFFFFFC ss:$0x81] =	vst.msk $0xff, v0;
	v0 =	vld.msk [tilespmem:s20+$0xFFFFFFE0], $0xff  }
0x5a: {  	v3 =	vld.msk [tilespmem:s22+$0x0], $0xff  }
0x5b: {  	[tilespmem:s14+$0xFFFFFFFB ss:$0x81] =	vst.msk $0xff, v1  }
0x5c: {  	v1 =	vld.msk [tilespmem:s16+$0xFFFFFFF8], $0xff  }
0x5d: {  	s17 =	sadd.s32 $0x8, s15;
	[tilespmem:s15+$0xFFFFFFFA ss:$0x81] =	vst.msk $0xff, v2  }
0x5e: {  	v2 =	vld.msk [tilespmem:s18+$0xFFFFFFF0], $0xff;
	[tilespmem:s17+$0xFFFFFFF9 ss:$0x81] =	vst.msk $0xff, v0  }
0x5f: {  	v0 =	vld.msk [tilespmem:s20+$0xFFFFFFE8], $0xff;
	[tilespmem:s13+$0xFFFFFFFD ss:$0x81] =	vst.msk $0xff, v3  }
0x60: {  	s21 =	sadd.s32 $0x40, s20;
	v3 =	vld.msk [tilespmem:s22+$0x8], $0xff  }
0x61: {  	[tilespmem:s14+$0xFFFFFFFC ss:$0x81] =	vst.msk $0xff, v1;
	v1 =	vld.msk [tilespmem:s21+$0xFFFFFFE0], $0xff  }
0x62: {  	v4 =	vld.msk [tilespmem:s16+$0x0], $0xff  }
0x63: {  	[tilespmem:s15+$0xFFFFFFFB ss:$0x81] =	vst.msk $0xff, v2  }
0x64: {  	v2 =	vld.msk [tilespmem:s18+$0xFFFFFFF8], $0xff;
	[tilespmem:s17+$0xFFFFFFFA ss:$0x81] =	vst.msk $0xff, v0  }
0x65: {  	s19 =	sadd.s32 $0x8, s17;
	v0 =	vld.msk [tilespmem:s20+$0xFFFFFFF0], $0xff;
	[tilespmem:s13+$0xFFFFFFFE ss:$0x81] =	vst.msk $0xff, v3  }
0x66: {  	[tilespmem:s19+$0xFFFFFFF9 ss:$0x81] =	vst.msk $0xff, v1;
	v1 =	vld.msk [tilespmem:s22+$0x10], $0xff  }
0x67: {  	[tilespmem:s14+$0xFFFFFFFD ss:$0x81] =	vst.msk $0xff, v4;
	v3 =	vld.msk [tilespmem:s21+$0xFFFFFFE8], $0xff  }
0x68: {  	s24 =	sadd.s32 $0x40, s21;
	v4 =	vld.msk [tilespmem:s16+$0x8], $0xff  }
0x69: {  	[tilespmem:s15+$0xFFFFFFFC ss:$0x81] =	vst.msk $0xff, v2;
	v2 =	vld.msk [tilespmem:s24+$0xFFFFFFE0], $0xff  }
0x6a: {  	v5 =	vld.msk [tilespmem:s18+$0x0], $0xff;
	[tilespmem:s17+$0xFFFFFFFB ss:$0x81] =	vst.msk $0xff, v0  }
0x6b: {  	v6 =	vld.msk [tilespmem:s20+$0xFFFFFFF8], $0xff;
	[tilespmem:s13+$0xFFFFFFFF ss:$0x81] =	vst.msk $0xff, v1  }
0x6c: {  	s23 =	sand.u32 $0x1, s10;
	[tilespmem:s19+$0xFFFFFFFA ss:$0x81] =	vst.msk $0xff, v3;
	v0 =	vld.msk [tilespmem:s22+$0x18], $0xff  }
0x6d: {  	s23 =	smul.u32 $0x1020, s23;
	[tilespmem:s14+$0xFFFFFFFE ss:$0x81] =	vst.msk $0xff, v4;
	v3 =	vld.msk [tilespmem:s21+$0xFFFFFFF0], $0xff;
	s22 =	sadd.s32 $0x8, s19  }
0x6e: {  	v1 =	vld.msk [tilespmem:s16+$0x10], $0xff;
	[tilespmem:s22+$0xFFFFFFF9 ss:$0x81] =	vst.msk $0xff, v2  }
0x6f: {  	s23 =	sshrl.u32 s23, $0x2;
	[tilespmem:s15+$0xFFFFFFFD ss:$0x81] =	vst.msk $0xff, v5;
	v4 =	vld.msk [tilespmem:s24+$0xFFFFFFE8], $0xff  }
0x70: {  	s25 =	simm.s32 $0x28;
	s23 =	sor.u32 $0x800, s23;
	s26 =	sadd.s32 $0x40, s24;
	v2 =	vld.msk [tilespmem:s18+$0x8], $0xff;
	[tilespmem:s17+$0xFFFFFFFC ss:$0x81] =	vst.msk $0xff, v6  }
.LBB1_3:
0x71: {  	v5 =	vld.msk [tilespmem:s26+$0xFFFFFFE0], $0xff;
	[tilespmem:s13+$0x0 ss:$0x81] =	vst.msk $0xff, v0;
	s13 =	smov.u32 s14;
	s14 =	smov.u32 s15;
	s15 =	smov.u32 s17  }
0x72: {  	s25 =	sadd.s32 $0x8, s25;
	s17 =	smov.u32 s19;
	[tilespmem:s19+$0xFFFFFFFB ss:$0x81] =	vst.msk $0xff, v3;
	v6 =	vld.msk [tilespmem:s20+$0x0], $0xff;
	s19 =	smov.u32 s22  }
0x73: {  	p1 =	slt.u32 s25, $0x78;
	v7 =	vld.msk [tilespmem:s21+$0xFFFFFFF8], $0xff;
	[tilespmem:s13+$0xFFFFFFFF ss:$0x81] =	vst.msk $0xff, v1  }
.Ltmp3:
0x74: {  	[tilespmem:s22+$0xFFFFFFFA ss:$0x81] =	vst.msk $0xff, v4;
	v0 =	vld.msk [tilespmem:s16+$0x18], $0xff;
	s16 =	smov.u32 s18;
	s18 =	smov.u32 s20;
	(pc) =	sbr.rel @p1 .LBB1_3-.Ltmp3, $4  }
0x75: {  	s22 =	sadd.s32 $0x8, s22;
	s20 =	smov.u32 s21;
	s21 =	smov.u32 s24;
	v3 =	vld.msk [tilespmem:s24+$0xFFFFFFF0], $0xff;
	[tilespmem:s14+$0xFFFFFFFE ss:$0x81] =	vst.msk $0xff, v2  }
0x76: {  	s24 =	smov.u32 s26;
	[tilespmem:s22+$0xFFFFFFF9 ss:$0x81] =	vst.msk $0xff, v5;
	v1 =	vld.msk [tilespmem:s16+$0x10], $0xff  }
0x77: {  	v4 =	vld.msk [tilespmem:s26+$0xFFFFFFE8], $0xff;
	[tilespmem:s15+$0xFFFFFFFD ss:$0x81] =	vst.msk $0xff, v6  }
0x78: {  	s26 =	sadd.s32 $0x40, s26;
	[tilespmem:s17+$0xFFFFFFFC ss:$0x81] =	vst.msk $0xff, v7;
	v2 =	vld.msk [tilespmem:s18+$0x8], $0xff  }
.Ltmp4:
0x79: {  	_ = 	snop;
	(pc) =	sbr.rel .LBB1_4-.Ltmp4, $1  }
0x7a: {  	_ =	sdelay $0x3  }
.LBB1_6:
0x7b: {  	_ =	sfence.sel $0x180000  }
0x7c: {  	s2 =	simm.s32 $0x1;
	[bflag:$0x0] =	sbarrier.arrive $0xFFFF  }
0x7d: {  	s31 =	simm.s32 $0x2;
	[sflag:s2] =	ssyncpa.u1 $0x1  }
0x7e: {  	[sflag:s31] =	ssyncpa.u1 $0x1  }
0x7f: {  	p0 =	sne.s32 s0, $0x0;
	_ =	strace $0x9000004A  }
0x80: {  	s0 =	sadd.s32 @!p0 $0x100000, s1;
	[bflag:$0x2] =	sbarrier.arrive $0xFFFF  }
0x81: {  	[sflag:s0] =	ssyncadd.tile.s32 @!p0 $0x1;
	_ =	shalt  }
.Lfunc_end1:
_tile_overlayer_lowered:
.L_overlay_start_2:
0x82: {  	(tag) =	ssettag $0x2  }
0x83: {  	s0 =	rddreg [dreg:$0x0];
	s2 =	stileid.u32  }
0x84: {  	s1 =	rddreg [dreg:$0x1];
	p0 =	sne.s32 s2, $0x0  }
0x85: {  	s3 =	rddreg [dreg:$0x2];
	[bflag:$0x3] =	sbarrier.arrive $0xFFFF;
	s2 =	simm.s32 @!p0 $0x1C01  }
0x86: {  	[timem:s3], [sflag:s2] =	dma.local @!p0 [hbm:s0], s1  }
0x87: {  	s0 =	simm.s32 @!p0 $0x1  }
0x88: {  	_ =	swait.ge @!p0 [sflag:s0], s1  }
0x89: {  	s1 =	ssub.s32 @!p0 $0x0, s1;
	[sflag:s0] =	ssyncset.done @!p0 $0x0  }
0x8a: {  	[sflag:s0] =	ssyncadd.s32 @!p0 s1  }
0x8b: {  	[bflag:$0x3] =	sbarrier.arrive $0xFFFF  }
0x8c: {  	_ =	shalt  }

</sc_bundles>
